<compile_context>
chip_gen: v7x
topology: tpu7x:2x2x1
jax: 0.10.2.dev20260603
libtpu: 0.0.44.dev20260713+nightly
codegen_flags: <defaults>
</compile_context>

<pallas_src>
import functools

import jax
import jax.numpy as jnp
from jax import lax
from jax.experimental import pallas as pl
from jax.experimental.pallas import tpu as pltpu
from jax.experimental.pallas import tpu_sc as plsc

_SC_INFO = plsc.get_sparse_core_info()
_NC = _SC_INFO.num_cores
_NS = _SC_INFO.num_subcores
_NW = _NC * _NS
_L = _SC_INFO.num_lanes


@jax.jit
def kernel(x, table):
    B, = x.shape
    V, D = table.shape
    b_per_w = B // _NW
    table3 = jnp.reshape(table, (V // 8, 8, D))

    mesh = plsc.VectorSubcoreMesh(core_axis_name="c", subcore_axis_name="s")

    @functools.partial(
        pl.kernel,
        mesh=mesh,
        out_type=jax.ShapeDtypeStruct((B, D), jnp.float32),
        scratch_types=[
            pltpu.VMEM((b_per_w,), jnp.int32),
            pltpu.VMEM((b_per_w, D), jnp.float32),
            pltpu.SemaphoreType.DMA,
        ],
    )
    def gather_kernel(x_hbm, table_hbm, out_hbm, xv_v, vout, sem):
        wid = lax.axis_index("s") * _NC + lax.axis_index("c")
        base = wid * b_per_w
        pltpu.sync_copy(x_hbm.at[pl.ds(base, b_per_w)], xv_v)

        def issue_chunk(k, _):
            v = xv_v[pl.ds(k * _L, _L)]
            gvec = lax.shift_right_logical(v, 3)
            rvec = jnp.bitwise_and(v, 7)
            for t in range(_L):
                pltpu.async_copy(
                    table_hbm.at[gvec[t], rvec[t]], vout.at[k * _L + t], sem
                )
            return 0

        lax.fori_loop(0, b_per_w // _L, issue_chunk, 0)

        def drain(j, _):
            pltpu.make_async_copy(
                table_hbm.at[0, 0], vout.at[0], sem
            ).wait()
            return 0

        lax.fori_loop(0, b_per_w, drain, 0)
        pltpu.sync_copy(vout, out_hbm.at[pl.ds(base, b_per_w)])

    return gather_kernel(x.astype(jnp.int32), table3)

# --- scband reference (transcript-rebuilt; emitter-appended) ---
"""Pipeline reference for scband-singer-encoder-30039001268457 (READ-ONLY COPY).

The authoritative reference and input builder live on the scoring server;
editing this copy changes nothing except your own understanding.
"""

import jax, jax.numpy as jnp
import numpy as np

VOCAB = 1000000
EMBED_DIM = 16
BATCH = 16384


def setup_inputs(seed: int = 0) -> dict:
    key = jax.random.key(seed)
    k_idx, k_tab = jax.random.split(key)
    x = jax.random.randint(k_idx, (BATCH,), 0, VOCAB, dtype=jnp.int64) if jax.config.jax_enable_x64 else jax.random.randint(k_idx, (BATCH,), 0, VOCAB, dtype=jnp.int32)
    table = jax.random.normal(k_tab, (VOCAB, EMBED_DIM), dtype=jnp.float32)
    return {"x": x, "table": table}


def reference(x, table):
    # nn.Embedding forward: row gather from the embedding table
    return jnp.take(table, x, axis=0)

if __name__ == "__main__":
    import jax
    _d = setup_inputs()
    print(jax.jit(kernel)(*tuple(_d.values())))

</pallas_src>

<mosaic_0001>
#map = affine_map<(d0, d1) -> (0)>
#map1 = affine_map<(d0, d1) -> (0, 0, 0)>
#map2 = affine_map<(d0, d1) -> (0, 0)>
module attributes {stable_mosaic.version = 14 : i64} {
  func.func @gather_kernel(%arg0: i32, %arg1: i32, %arg2: memref<16384xi32, #tpu.memory_space<hbm>>, %arg3: memref<125000x8x16xf32, #tpu.memory_space<hbm>>, %arg4: memref<16384x16xf32, #tpu.memory_space<hbm>>, %arg5: memref<512xi32, #tpu.memory_space<vmem>>, %arg6: memref<512x16xf32, #tpu.memory_space<vmem>>, %arg7: memref<!tpu.dma_semaphore, #tpu.memory_space<semaphore_mem>>) attributes {dimension_semantics = [#tpu.dimension_semantics<core_parallel>, #tpu.dimension_semantics<subcore_parallel>], iteration_bounds = array<i64: 2, 16>, scalar_prefetch = 0 : i64, scratch_operands = 3 : i64, tpu.core_type = #tpu.core_type<sc_vector_subcore>, window_params = [{transform_indices = #map}, {transform_indices = #map1}, {transform_indices = #map2}]} {
    %mul3A = arith.constant 2 : i32
    %mul3A_0 = arith.muli %arg1, %mul3A : i32
    %add3A = arith.addi %mul3A_0, %arg0 : i32
    %mul3A_1 = arith.constant 512 : i32
    %mul3A_2 = arith.muli %add3A, %mul3A_1 : i32
    "tpu.region"() ({
      %run_scoped3A = tpu.sem_alloc : memref<!tpu.dma_semaphore, #tpu.memory_space<semaphore_mem>>
      %dma_start3A = tpu.memref_slice %arg2[%mul3A_2] : memref<16384xi32, #tpu.memory_space<hbm>> -> memref<512xi32, #tpu.memory_space<hbm>>
      %dma_start3A_16 = tpu.memref_slice %arg2[%mul3A_2] : memref<16384xi32, #tpu.memory_space<hbm>> -> memref<512xi32, #tpu.memory_space<hbm>>
      tpu.enqueue_dma source(%dma_start3A_16 : memref<512xi32, #tpu.memory_space<hbm>>) target(%arg5 : memref<512xi32, #tpu.memory_space<vmem>>) target_semaphore(%run_scoped3A : memref<!tpu.dma_semaphore, #tpu.memory_space<semaphore_mem>>)
      %dma_wait3A = tpu.memref_slice %arg2[%mul3A_2] : memref<16384xi32, #tpu.memory_space<hbm>> -> memref<512xi32, #tpu.memory_space<hbm>>
      %dma_wait3A_17 = tpu.memref_slice %arg2[%mul3A_2] : memref<16384xi32, #tpu.memory_space<hbm>> -> memref<512xi32, #tpu.memory_space<hbm>>
      tpu.wait_dma2 semaphore(%run_scoped3A : memref<!tpu.dma_semaphore, #tpu.memory_space<semaphore_mem>>) src(%dma_wait3A_17 : memref<512xi32, #tpu.memory_space<hbm>>) dst(%arg5 : memref<512xi32, #tpu.memory_space<vmem>>)
      tpu.yield
    }) : () -> ()
    %scan3A = arith.constant 0 : i32
    %scan3A_3 = arith.constant 0 : i32
    %scan3A_4 = arith.constant 32 : i32
    %scan3A_5 = arith.addi %scan3A_3, %scan3A_4 : i32
    %scan3A_6 = arith.constant 1 : i32
    %scan3A_7 = scf.for %scan3A_16 = %scan3A_3 to %scan3A_5 step %scan3A_6 iter_args(%scan3A_17 = %scan3A) -> (i32)  : i32 {
      %mul3A_18 = arith.constant 16 : i32
      %mul3A_19 = arith.muli %scan3A_16, %mul3A_18 : i32
      %get3A = arith.index_cast %mul3A_19 : i32 to index
      %get3A_20 = tpu.vector_load %arg5[%get3A] {strides = array<i32>} : memref<512xi32, #tpu.memory_space<vmem>>, vector<16xi32>,
      %get3A_21 = vector.shape_cast %get3A_20 : vector<16xi32> to vector<16xi32>
      %shift_right_logical3A = arith.constant 3 : i32
      %shift_right_logical3A_22 = vector.broadcast %shift_right_logical3A : i32 to vector<16xi32>
      %shift_right_logical3A_23 = arith.shrui %get3A_21, %shift_right_logical3A_22 : vector<16xi32>
      %and3A = arith.constant 7 : i32
      %and3A_24 = vector.broadcast %and3A : i32 to vector<16xi32>
      %and3A_25 = arith.andi %get3A_21, %and3A_24 : vector<16xi32>
      %slice3A = vector.extract_strided_slice %shift_right_logical3A_23 {offsets = [0], sizes = [1], strides = [1]} : vector<16xi32> to vector<1xi32>
      %squeeze3A = vector.extract %slice3A[0] : i32 from vector<1xi32>
      %slice3A_26 = vector.extract_strided_slice %and3A_25 {offsets = [0], sizes = [1], strides = [1]} : vector<16xi32> to vector<1xi32>
      %squeeze3A_27 = vector.extract %slice3A_26[0] : i32 from vector<1xi32>
      %mul3A_28 = arith.constant 16 : i32
      %mul3A_29 = arith.muli %scan3A_16, %mul3A_28 : i32
      %add3A_30 = arith.constant 0 : i32
      %add3A_31 = arith.addi %mul3A_29, %add3A_30 : i32
      %dma_start3A = arith.constant 0 : i32
      %dma_start3A_32 = tpu.memref_slice %arg6[%add3A_31, %dma_start3A] : memref<512x16xf32, #tpu.memory_space<vmem>> -> memref<1x16xf32, #tpu.memory_space<vmem>>
      %dma_start3A_33 = tpu.memref_squeeze %dma_start3A_32 : memref<1x16xf32, #tpu.memory_space<vmem>> -> memref<16xf32, #tpu.memory_space<vmem>>
      %dma_start3A_34 = arith.constant 0 : i32
      %dma_start3A_35 = tpu.memref_slice %arg3[%squeeze3A, %squeeze3A_27, %dma_start3A_34] : memref<125000x8x16xf32, #tpu.memory_space<hbm>> -> memref<1x1x16xf32, #tpu.memory_space<hbm>>
      %dma_start3A_36 = tpu.memref_squeeze %dma_start3A_35 : memref<1x1x16xf32, #tpu.memory_space<hbm>> -> memref<16xf32, #tpu.memory_space<hbm>>
      %dma_start3A_37 = arith.constant 0 : i32
      %dma_start3A_38 = tpu.memref_slice %arg6[%add3A_31, %dma_start3A_37] : memref<512x16xf32, #tpu.memory_space<vmem>> -> memref<1x16xf32, #tpu.memory_space<vmem>>
      %dma_start3A_39 = tpu.memref_squeeze %dma_start3A_38 : memref<1x16xf32, #tpu.memory_space<vmem>> -> memref<16xf32, #tpu.memory_space<vmem>>
      %dma_start3A_40 = arith.constant 0 : i32
      %dma_start3A_41 = tpu.memref_slice %arg3[%squeeze3A, %squeeze3A_27, %dma_start3A_40] : memref<125000x8x16xf32, #tpu.memory_space<hbm>> -> memref<1x1x16xf32, #tpu.memory_space<hbm>>
      %dma_start3A_42 = tpu.memref_squeeze %dma_start3A_41 : memref<1x1x16xf32, #tpu.memory_space<hbm>> -> memref<16xf32, #tpu.memory_space<hbm>>
      tpu.enqueue_dma source(%dma_start3A_42 : memref<16xf32, #tpu.memory_space<hbm>>) target(%dma_start3A_39 : memref<16xf32, #tpu.memory_space<vmem>>) target_semaphore(%arg7 : memref<!tpu.dma_semaphore, #tpu.memory_space<semaphore_mem>>)
      %slice3A_43 = vector.extract_strided_slice %shift_right_logical3A_23 {offsets = [1], sizes = [1], strides = [1]} : vector<16xi32> to vector<1xi32>
      %squeeze3A_44 = vector.extract %slice3A_43[0] : i32 from vector<1xi32>
      %slice3A_45 = vector.extract_strided_slice %and3A_25 {offsets = [1], sizes = [1], strides = [1]} : vector<16xi32> to vector<1xi32>
      %squeeze3A_46 = vector.extract %slice3A_45[0] : i32 from vector<1xi32>
      %mul3A_47 = arith.constant 16 : i32
      %mul3A_48 = arith.muli %scan3A_16, %mul3A_47 : i32
      %add3A_49 = arith.constant 1 : i32
      %add3A_50 = arith.addi %mul3A_48, %add3A_49 : i32
      %dma_start3A_51 = arith.constant 0 : i32
      %dma_start3A_52 = tpu.memref_slice %arg6[%add3A_50, %dma_start3A_51] : memref<512x16xf32, #tpu.memory_space<vmem>> -> memref<1x16xf32, #tpu.memory_space<vmem>>
      %dma_start3A_53 = tpu.memref_squeeze %dma_start3A_52 : memref<1x16xf32, #tpu.memory_space<vmem>> -> memref<16xf32, #tpu.memory_space<vmem>>
      %dma_start3A_54 = arith.constant 0 : i32
      %dma_start3A_55 = tpu.memref_slice %arg3[%squeeze3A_44, %squeeze3A_46, %dma_start3A_54] : memref<125000x8x16xf32, #tpu.memory_space<hbm>> -> memref<1x1x16xf32, #tpu.memory_space<hbm>>
      %dma_start3A_56 = tpu.memref_squeeze %dma_start3A_55 : memref<1x1x16xf32, #tpu.memory_space<hbm>> -> memref<16xf32, #tpu.memory_space<hbm>>
      %dma_start3A_57 = arith.constant 0 : i32
      %dma_start3A_58 = tpu.memref_slice %arg6[%add3A_50, %dma_start3A_57] : memref<512x16xf32, #tpu.memory_space<vmem>> -> memref<1x16xf32, #tpu.memory_space<vmem>>
      %dma_start3A_59 = tpu.memref_squeeze %dma_start3A_58 : memref<1x16xf32, #tpu.memory_space<vmem>> -> memref<16xf32, #tpu.memory_space<vmem>>
      %dma_start3A_60 = arith.constant 0 : i32
      %dma_start3A_61 = tpu.memref_slice %arg3[%squeeze3A_44, %squeeze3A_46, %dma_start3A_60] : memref<125000x8x16xf32, #tpu.memory_space<hbm>> -> memref<1x1x16xf32, #tpu.memory_space<hbm>>
      %dma_start3A_62 = tpu.memref_squeeze %dma_start3A_61 : memref<1x1x16xf32, #tpu.memory_space<hbm>> -> memref<16xf32, #tpu.memory_space<hbm>>
      tpu.enqueue_dma source(%dma_start3A_62 : memref<16xf32, #tpu.memory_space<hbm>>) target(%dma_start3A_59 : memref<16xf32, #tpu.memory_space<vmem>>) target_semaphore(%arg7 : memref<!tpu.dma_semaphore, #tpu.memory_space<semaphore_mem>>)
      %slice3A_63 = vector.extract_strided_slice %shift_right_logical3A_23 {offsets = [2], sizes = [1], strides = [1]} : vector<16xi32> to vector<1xi32>
      %squeeze3A_64 = vector.extract %slice3A_63[0] : i32 from vector<1xi32>
      %slice3A_65 = vector.extract_strided_slice %and3A_25 {offsets = [2], sizes = [1], strides = [1]} : vector<16xi32> to vector<1xi32>
      %squeeze3A_66 = vector.extract %slice3A_65[0] : i32 from vector<1xi32>
      %mul3A_67 = arith.constant 16 : i32
      %mul3A_68 = arith.muli %scan3A_16, %mul3A_67 : i32
      %add3A_69 = arith.constant 2 : i32
      %add3A_70 = arith.addi %mul3A_68, %add3A_69 : i32
      %dma_start3A_71 = arith.constant 0 : i32
      %dma_start3A_72 = tpu.memref_slice %arg6[%add3A_70, %dma_start3A_71] : memref<512x16xf32, #tpu.memory_space<vmem>> -> memref<1x16xf32, #tpu.memory_space<vmem>>
      %dma_start3A_73 = tpu.memref_squeeze %dma_start3A_72 : memref<1x16xf32, #tpu.memory_space<vmem>> -> memref<16xf32, #tpu.memory_space<vmem>>
      %dma_start3A_74 = arith.constant 0 : i32
      %dma_start3A_75 = tpu.memref_slice %arg3[%squeeze3A_64, %squeeze3A_66, %dma_start3A_74] : memref<125000x8x16xf32, #tpu.memory_space<hbm>> -> memref<1x1x16xf32, #tpu.memory_space<hbm>>
      %dma_start3A_76 = tpu.memref_squeeze %dma_start3A_75 : memref<1x1x16xf32, #tpu.memory_space<hbm>> -> memref<16xf32, #tpu.memory_space<hbm>>
      %dma_start3A_77 = arith.constant 0 : i32
      %dma_start3A_78 = tpu.memref_slice %arg6[%add3A_70, %dma_start3A_77] : memref<512x16xf32, #tpu.memory_space<vmem>> -> memref<1x16xf32, #tpu.memory_space<vmem>>
      %dma_start3A_79 = tpu.memref_squeeze %dma_start3A_78 : memref<1x16xf32, #tpu.memory_space<vmem>> -> memref<16xf32, #tpu.memory_space<vmem>>
      %dma_start3A_80 = arith.constant 0 : i32
      %dma_start3A_81 = tpu.memref_slice %arg3[%squeeze3A_64, %squeeze3A_66, %dma_start3A_80] : memref<125000x8x16xf32, #tpu.memory_space<hbm>> -> memref<1x1x16xf32, #tpu.memory_space<hbm>>
      %dma_start3A_82 = tpu.memref_squeeze %dma_start3A_81 : memref<1x1x16xf32, #tpu.memory_space<hbm>> -> memref<16xf32, #tpu.memory_space<hbm>>
      tpu.enqueue_dma source(%dma_start3A_82 : memref<16xf32, #tpu.memory_space<hbm>>) target(%dma_start3A_79 : memref<16xf32, #tpu.memory_space<vmem>>) target_semaphore(%arg7 : memref<!tpu.dma_semaphore, #tpu.memory_space<semaphore_mem>>)
      %slice3A_83 = vector.extract_strided_slice %shift_right_logical3A_23 {offsets = [3], sizes = [1], strides = [1]} : vector<16xi32> to vector<1xi32>
      %squeeze3A_84 = vector.extract %slice3A_83[0] : i32 from vector<1xi32>
      %slice3A_85 = vector.extract_strided_slice %and3A_25 {offsets = [3], sizes = [1], strides = [1]} : vector<16xi32> to vector<1xi32>
      %squeeze3A_86 = vector.extract %slice3A_85[0] : i32 from vector<1xi32>
      %mul3A_87 = arith.constant 16 : i32
      %mul3A_88 = arith.muli %scan3A_16, %mul3A_87 : i32
      %add3A_89 = arith.constant 3 : i32
      %add3A_90 = arith.addi %mul3A_88, %add3A_89 : i32
      %dma_start3A_91 = arith.constant 0 : i32
      %dma_start3A_92 = tpu.memref_slice %arg6[%add3A_90, %dma_start3A_91] : memref<512x16xf32, #tpu.memory_space<vmem>> -> memref<1x16xf32, #tpu.memory_space<vmem>>
      %dma_start3A_93 = tpu.memref_squeeze %dma_start3A_92 : memref<1x16xf32, #tpu.memory_space<vmem>> -> memref<16xf32, #tpu.memory_space<vmem>>
      %dma_start3A_94 = arith.constant 0 : i32
      %dma_start3A_95 = tpu.memref_slice %arg3[%squeeze3A_84, %squeeze3A_86, %dma_start3A_94] : memref<125000x8x16xf32, #tpu.memory_space<hbm>> -> memref<1x1x16xf32, #tpu.memory_space<hbm>>
      %dma_start3A_96 = tpu.memref_squeeze %dma_start3A_95 : memref<1x1x16xf32, #tpu.memory_space<hbm>> -> memref<16xf32, #tpu.memory_space<hbm>>
      %dma_start3A_97 = arith.constant 0 : i32
      %dma_start3A_98 = tpu.memref_slice %arg6[%add3A_90, %dma_start3A_97] : memref<512x16xf32, #tpu.memory_space<vmem>> -> memref<1x16xf32, #tpu.memory_space<vmem>>
      %dma_start3A_99 = tpu.memref_squeeze %dma_start3A_98 : memref<1x16xf32, #tpu.memory_space<vmem>> -> memref<16xf32, #tpu.memory_space<vmem>>
      %dma_start3A_100 = arith.constant 0 : i32
      %dma_start3A_101 = tpu.memref_slice %arg3[%squeeze3A_84, %squeeze3A_86, %dma_start3A_100] : memref<125000x8x16xf32, #tpu.memory_space<hbm>> -> memref<1x1x16xf32, #tpu.memory_space<hbm>>
      %dma_start3A_102 = tpu.memref_squeeze %dma_start3A_101 : memref<1x1x16xf32, #tpu.memory_space<hbm>> -> memref<16xf32, #tpu.memory_space<hbm>>
      tpu.enqueue_dma source(%dma_start3A_102 : memref<16xf32, #tpu.memory_space<hbm>>) target(%dma_start3A_99 : memref<16xf32, #tpu.memory_space<vmem>>) target_semaphore(%arg7 : memref<!tpu.dma_semaphore, #tpu.memory_space<semaphore_mem>>)
      %slice3A_103 = vector.extract_strided_slice %shift_right_logical3A_23 {offsets = [4], sizes = [1], strides = [1]} : vector<16xi32> to vector<1xi32>
      %squeeze3A_104 = vector.extract %slice3A_103[0] : i32 from vector<1xi32>
      %slice3A_105 = vector.extract_strided_slice %and3A_25 {offsets = [4], sizes = [1], strides = [1]} : vector<16xi32> to vector<1xi32>
      %squeeze3A_106 = vector.extract %slice3A_105[0] : i32 from vector<1xi32>
      %mul3A_107 = arith.constant 16 : i32
      %mul3A_108 = arith.muli %scan3A_16, %mul3A_107 : i32
      %add3A_109 = arith.constant 4 : i32
      %add3A_110 = arith.addi %mul3A_108, %add3A_109 : i32
      %dma_start3A_111 = arith.constant 0 : i32
      %dma_start3A_112 = tpu.memref_slice %arg6[%add3A_110, %dma_start3A_111] : memref<512x16xf32, #tpu.memory_space<vmem>> -> memref<1x16xf32, #tpu.memory_space<vmem>>
      %dma_start3A_113 = tpu.memref_squeeze %dma_start3A_112 : memref<1x16xf32, #tpu.memory_space<vmem>> -> memref<16xf32, #tpu.memory_space<vmem>>
      %dma_start3A_114 = arith.constant 0 : i32
      %dma_start3A_115 = tpu.memref_slice %arg3[%squeeze3A_104, %squeeze3A_106, %dma_start3A_114] : memref<125000x8x16xf32, #tpu.memory_space<hbm>> -> memref<1x1x16xf32, #tpu.memory_space<hbm>>
      %dma_start3A_116 = tpu.memref_squeeze %dma_start3A_115 : memref<1x1x16xf32, #tpu.memory_space<hbm>> -> memref<16xf32, #tpu.memory_space<hbm>>
      %dma_start3A_117 = arith.constant 0 : i32
      %dma_start3A_118 = tpu.memref_slice %arg6[%add3A_110, %dma_start3A_117] : memref<512x16xf32, #tpu.memory_space<vmem>> -> memref<1x16xf32, #tpu.memory_space<vmem>>
      %dma_start3A_119 = tpu.memref_squeeze %dma_start3A_118 : memref<1x16xf32, #tpu.memory_space<vmem>> -> memref<16xf32, #tpu.memory_space<vmem>>
      %dma_start3A_120 = arith.constant 0 : i32
      %dma_start3A_121 = tpu.memref_slice %arg3[%squeeze3A_104, %squeeze3A_106, %dma_start3A_120] : memref<125000x8x16xf32, #tpu.memory_space<hbm>> -> memref<1x1x16xf32, #tpu.memory_space<hbm>>
      %dma_start3A_122 = tpu.memref_squeeze %dma_start3A_121 : memref<1x1x16xf32, #tpu.memory_space<hbm>> -> memref<16xf32, #tpu.memory_space<hbm>>
      tpu.enqueue_dma source(%dma_start3A_122 : memref<16xf32, #tpu.memory_space<hbm>>) target(%dma_start3A_119 : memref<16xf32, #tpu.memory_space<vmem>>) target_semaphore(%arg7 : memref<!tpu.dma_semaphore, #tpu.memory_space<semaphore_mem>>)
      %slice3A_123 = vector.extract_strided_slice %shift_right_logical3A_23 {offsets = [5], sizes = [1], strides = [1]} : vector<16xi32> to vector<1xi32>
      %squeeze3A_124 = vector.extract %slice3A_123[0] : i32 from vector<1xi32>
      %slice3A_125 = vector.extract_strided_slice %and3A_25 {offsets = [5], sizes = [1], strides = [1]} : vector<16xi32> to vector<1xi32>
      %squeeze3A_126 = vector.extract %slice3A_125[0] : i32 from vector<1xi32>
      %mul3A_127 = arith.constant 16 : i32
      %mul3A_128 = arith.muli %scan3A_16, %mul3A_127 : i32
      %add3A_129 = arith.constant 5 : i32
      %add3A_130 = arith.addi %mul3A_128, %add3A_129 : i32
      %dma_start3A_131 = arith.constant 0 : i32
      %dma_start3A_132 = tpu.memref_slice %arg6[%add3A_130, %dma_start3A_131] : memref<512x16xf32, #tpu.memory_space<vmem>> -> memref<1x16xf32, #tpu.memory_space<vmem>>
      %dma_start3A_133 = tpu.memref_squeeze %dma_start3A_132 : memref<1x16xf32, #tpu.memory_space<vmem>> -> memref<16xf32, #tpu.memory_space<vmem>>
      %dma_start3A_134 = arith.constant 0 : i32
      %dma_start3A_135 = tpu.memref_slice %arg3[%squeeze3A_124, %squeeze3A_126, %dma_start3A_134] : memref<125000x8x16xf32, #tpu.memory_space<hbm>> -> memref<1x1x16xf32, #tpu.memory_space<hbm>>
      %dma_start3A_136 = tpu.memref_squeeze %dma_start3A_135 : memref<1x1x16xf32, #tpu.memory_space<hbm>> -> memref<16xf32, #tpu.memory_space<hbm>>
      %dma_start3A_137 = arith.constant 0 : i32
      %dma_start3A_138 = tpu.memref_slice %arg6[%add3A_130, %dma_start3A_137] : memref<512x16xf32, #tpu.memory_space<vmem>> -> memref<1x16xf32, #tpu.memory_space<vmem>>
      %dma_start3A_139 = tpu.memref_squeeze %dma_start3A_138 : memref<1x16xf32, #tpu.memory_space<vmem>> -> memref<16xf32, #tpu.memory_space<vmem>>
      %dma_start3A_140 = arith.constant 0 : i32
      %dma_start3A_141 = tpu.memref_slice %arg3[%squeeze3A_124, %squeeze3A_126, %dma_start3A_140] : memref<125000x8x16xf32, #tpu.memory_space<hbm>> -> memref<1x1x16xf32, #tpu.memory_space<hbm>>
      %dma_start3A_142 = tpu.memref_squeeze %dma_start3A_141 : memref<1x1x16xf32, #tpu.memory_space<hbm>> -> memref<16xf32, #tpu.memory_space<hbm>>
      tpu.enqueue_dma source(%dma_start3A_142 : memref<16xf32, #tpu.memory_space<hbm>>) target(%dma_start3A_139 : memref<16xf32, #tpu.memory_space<vmem>>) target_semaphore(%arg7 : memref<!tpu.dma_semaphore, #tpu.memory_space<semaphore_mem>>)
      %slice3A_143 = vector.extract_strided_slice %shift_right_logical3A_23 {offsets = [6], sizes = [1], strides = [1]} : vector<16xi32> to vector<1xi32>
      %squeeze3A_144 = vector.extract %slice3A_143[0] : i32 from vector<1xi32>
      %slice3A_145 = vector.extract_strided_slice %and3A_25 {offsets = [6], sizes = [1], strides = [1]} : vector<16xi32> to vector<1xi32>
      %squeeze3A_146 = vector.extract %slice3A_145[0] : i32 from vector<1xi32>
      %mul3A_147 = arith.constant 16 : i32
      %mul3A_148 = arith.muli %scan3A_16, %mul3A_147 : i32
      %add3A_149 = arith.constant 6 : i32
      %add3A_150 = arith.addi %mul3A_148, %add3A_149 : i32
      %dma_start3A_151 = arith.constant 0 : i32
      %dma_start3A_152 = tpu.memref_slice %arg6[%add3A_150, %dma_start3A_151] : memref<512x16xf32, #tpu.memory_space<vmem>> -> memref<1x16xf32, #tpu.memory_space<vmem>>
      %dma_start3A_153 = tpu.memref_squeeze %dma_start3A_152 : memref<1x16xf32, #tpu.memory_space<vmem>> -> memref<16xf32, #tpu.memory_space<vmem>>
      %dma_start3A_154 = arith.constant 0 : i32
      %dma_start3A_155 = tpu.memref_slice %arg3[%squeeze3A_144, %squeeze3A_146, %dma_start3A_154] : memref<125000x8x16xf32, #tpu.memory_space<hbm>> -> memref<1x1x16xf32, #tpu.memory_space<hbm>>
      %dma_start3A_156 = tpu.memref_squeeze %dma_start3A_155 : memref<1x1x16xf32, #tpu.memory_space<hbm>> -> memref<16xf32, #tpu.memory_space<hbm>>
      %dma_start3A_157 = arith.constant 0 : i32
      %dma_start3A_158 = tpu.memref_slice %arg6[%add3A_150, %dma_start3A_157] : memref<512x16xf32, #tpu.memory_space<vmem>> -> memref<1x16xf32, #tpu.memory_space<vmem>>
      %dma_start3A_159 = tpu.memref_squeeze %dma_start3A_158 : memref<1x16xf32, #tpu.memory_space<vmem>> -> memref<16xf32, #tpu.memory_space<vmem>>
      %dma_start3A_160 = arith.constant 0 : i32
      %dma_start3A_161 = tpu.memref_slice %arg3[%squeeze3A_144, %squeeze3A_146, %dma_start3A_160] : memref<125000x8x16xf32, #tpu.memory_space<hbm>> -> memref<1x1x16xf32, #tpu.memory_space<hbm>>
      %dma_start3A_162 = tpu.memref_squeeze %dma_start3A_161 : memref<1x1x16xf32, #tpu.memory_space<hbm>> -> memref<16xf32, #tpu.memory_space<hbm>>
      tpu.enqueue_dma source(%dma_start3A_162 : memref<16xf32, #tpu.memory_space<hbm>>) target(%dma_start3A_159 : memref<16xf32, #tpu.memory_space<vmem>>) target_semaphore(%arg7 : memref<!tpu.dma_semaphore, #tpu.memory_space<semaphore_mem>>)
      %slice3A_163 = vector.extract_strided_slice %shift_right_logical3A_23 {offsets = [7], sizes = [1], strides = [1]} : vector<16xi32> to vector<1xi32>
      %squeeze3A_164 = vector.extract %slice3A_163[0] : i32 from vector<1xi32>
      %slice3A_165 = vector.extract_strided_slice %and3A_25 {offsets = [7], sizes = [1], strides = [1]} : vector<16xi32> to vector<1xi32>
      %squeeze3A_166 = vector.extract %slice3A_165[0] : i32 from vector<1xi32>
      %mul3A_167 = arith.constant 16 : i32
      %mul3A_168 = arith.muli %scan3A_16, %mul3A_167 : i32
      %add3A_169 = arith.constant 7 : i32
      %add3A_170 = arith.addi %mul3A_168, %add3A_169 : i32
      %dma_start3A_171 = arith.constant 0 : i32
      %dma_start3A_172 = tpu.memref_slice %arg6[%add3A_170, %dma_start3A_171] : memref<512x16xf32, #tpu.memory_space<vmem>> -> memref<1x16xf32, #tpu.memory_space<vmem>>
      %dma_start3A_173 = tpu.memref_squeeze %dma_start3A_172 : memref<1x16xf32, #tpu.memory_space<vmem>> -> memref<16xf32, #tpu.memory_space<vmem>>
      %dma_start3A_174 = arith.constant 0 : i32
      %dma_start3A_175 = tpu.memref_slice %arg3[%squeeze3A_164, %squeeze3A_166, %dma_start3A_174] : memref<125000x8x16xf32, #tpu.memory_space<hbm>> -> memref<1x1x16xf32, #tpu.memory_space<hbm>>
      %dma_start3A_176 = tpu.memref_squeeze %dma_start3A_175 : memref<1x1x16xf32, #tpu.memory_space<hbm>> -> memref<16xf32, #tpu.memory_space<hbm>>
      %dma_start3A_177 = arith.constant 0 : i32
      %dma_start3A_178 = tpu.memref_slice %arg6[%add3A_170, %dma_start3A_177] : memref<512x16xf32, #tpu.memory_space<vmem>> -> memref<1x16xf32, #tpu.memory_space<vmem>>
      %dma_start3A_179 = tpu.memref_squeeze %dma_start3A_178 : memref<1x16xf32, #tpu.memory_space<vmem>> -> memref<16xf32, #tpu.memory_space<vmem>>
      %dma_start3A_180 = arith.constant 0 : i32
      %dma_start3A_181 = tpu.memref_slice %arg3[%squeeze3A_164, %squeeze3A_166, %dma_start3A_180] : memref<125000x8x16xf32, #tpu.memory_space<hbm>> -> memref<1x1x16xf32, #tpu.memory_space<hbm>>
      %dma_start3A_182 = tpu.memref_squeeze %dma_start3A_181 : memref<1x1x16xf32, #tpu.memory_space<hbm>> -> memref<16xf32, #tpu.memory_space<hbm>>
      tpu.enqueue_dma source(%dma_start3A_182 : memref<16xf32, #tpu.memory_space<hbm>>) target(%dma_start3A_179 : memref<16xf32, #tpu.memory_space<vmem>>) target_semaphore(%arg7 : memref<!tpu.dma_semaphore, #tpu.memory_space<semaphore_mem>>)
      %slice3A_183 = vector.extract_strided_slice %shift_right_logical3A_23 {offsets = [8], sizes = [1], strides = [1]} : vector<16xi32> to vector<1xi32>
      %squeeze3A_184 = vector.extract %slice3A_183[0] : i32 from vector<1xi32>
      %slice3A_185 = vector.extract_strided_slice %and3A_25 {offsets = [8], sizes = [1], strides = [1]} : vector<16xi32> to vector<1xi32>
      %squeeze3A_186 = vector.extract %slice3A_185[0] : i32 from vector<1xi32>
      %mul3A_187 = arith.constant 16 : i32
      %mul3A_188 = arith.muli %scan3A_16, %mul3A_187 : i32
      %add3A_189 = arith.constant 8 : i32
      %add3A_190 = arith.addi %mul3A_188, %add3A_189 : i32
      %dma_start3A_191 = arith.constant 0 : i32
      %dma_start3A_192 = tpu.memref_slice %arg6[%add3A_190, %dma_start3A_191] : memref<512x16xf32, #tpu.memory_space<vmem>> -> memref<1x16xf32, #tpu.memory_space<vmem>>
      %dma_start3A_193 = tpu.memref_squeeze %dma_start3A_192 : memref<1x16xf32, #tpu.memory_space<vmem>> -> memref<16xf32, #tpu.memory_space<vmem>>
      %dma_start3A_194 = arith.constant 0 : i32
      %dma_start3A_195 = tpu.memref_slice %arg3[%squeeze3A_184, %squeeze3A_186, %dma_start3A_194] : memref<125000x8x16xf32, #tpu.memory_space<hbm>> -> memref<1x1x16xf32, #tpu.memory_space<hbm>>
      %dma_start3A_196 = tpu.memref_squeeze %dma_start3A_195 : memref<1x1x16xf32, #tpu.memory_space<hbm>> -> memref<16xf32, #tpu.memory_space<hbm>>
      %dma_start3A_197 = arith.constant 0 : i32
      %dma_start3A_198 = tpu.memref_slice %arg6[%add3A_190, %dma_start3A_197] : memref<512x16xf32, #tpu.memory_space<vmem>> -> memref<1x16xf32, #tpu.memory_space<vmem>>
      %dma_start3A_199 = tpu.memref_squeeze %dma_start3A_198 : memref<1x16xf32, #tpu.memory_space<vmem>> -> memref<16xf32, #tpu.memory_space<vmem>>
      %dma_start3A_200 = arith.constant 0 : i32
      %dma_start3A_201 = tpu.memref_slice %arg3[%squeeze3A_184, %squeeze3A_186, %dma_start3A_200] : memref<125000x8x16xf32, #tpu.memory_space<hbm>> -> memref<1x1x16xf32, #tpu.memory_space<hbm>>
      %dma_start3A_202 = tpu.memref_squeeze %dma_start3A_201 : memref<1x1x16xf32, #tpu.memory_space<hbm>> -> memref<16xf32, #tpu.memory_space<hbm>>
      tpu.enqueue_dma source(%dma_start3A_202 : memref<16xf32, #tpu.memory_space<hbm>>) target(%dma_start3A_199 : memref<16xf32, #tpu.memory_space<vmem>>) target_semaphore(%arg7 : memref<!tpu.dma_semaphore, #tpu.memory_space<semaphore_mem>>)
      %slice3A_203 = vector.extract_strided_slice %shift_right_logical3A_23 {offsets = [9], sizes = [1], strides = [1]} : vector<16xi32> to vector<1xi32>
      %squeeze3A_204 = vector.extract %slice3A_203[0] : i32 from vector<1xi32>
      %slice3A_205 = vector.extract_strided_slice %and3A_25 {offsets = [9], sizes = [1], strides = [1]} : vector<16xi32> to vector<1xi32>
      %squeeze3A_206 = vector.extract %slice3A_205[0] : i32 from vector<1xi32>
      %mul3A_207 = arith.constant 16 : i32
      %mul3A_208 = arith.muli %scan3A_16, %mul3A_207 : i32
      %add3A_209 = arith.constant 9 : i32
      %add3A_210 = arith.addi %mul3A_208, %add3A_209 : i32
      %dma_start3A_211 = arith.constant 0 : i32
      %dma_start3A_212 = tpu.memref_slice %arg6[%add3A_210, %dma_start3A_211] : memref<512x16xf32, #tpu.memory_space<vmem>> -> memref<1x16xf32, #tpu.memory_space<vmem>>
      %dma_start3A_213 = tpu.memref_squeeze %dma_start3A_212 : memref<1x16xf32, #tpu.memory_space<vmem>> -> memref<16xf32, #tpu.memory_space<vmem>>
      %dma_start3A_214 = arith.constant 0 : i32
      %dma_start3A_215 = tpu.memref_slice %arg3[%squeeze3A_204, %squeeze3A_206, %dma_start3A_214] : memref<125000x8x16xf32, #tpu.memory_space<hbm>> -> memref<1x1x16xf32, #tpu.memory_space<hbm>>
      %dma_start3A_216 = tpu.memref_squeeze %dma_start3A_215 : memref<1x1x16xf32, #tpu.memory_space<hbm>> -> memref<16xf32, #tpu.memory_space<hbm>>
      %dma_start3A_217 = arith.constant 0 : i32
      %dma_start3A_218 = tpu.memref_slice %arg6[%add3A_210, %dma_start3A_217] : memref<512x16xf32, #tpu.memory_space<vmem>> -> memref<1x16xf32, #tpu.memory_space<vmem>>
      %dma_start3A_219 = tpu.memref_squeeze %dma_start3A_218 : memref<1x16xf32, #tpu.memory_space<vmem>> -> memref<16xf32, #tpu.memory_space<vmem>>
      %dma_start3A_220 = arith.constant 0 : i32
      %dma_start3A_221 = tpu.memref_slice %arg3[%squeeze3A_204, %squeeze3A_206, %dma_start3A_220] : memref<125000x8x16xf32, #tpu.memory_space<hbm>> -> memref<1x1x16xf32, #tpu.memory_space<hbm>>
      %dma_start3A_222 = tpu.memref_squeeze %dma_start3A_221 : memref<1x1x16xf32, #tpu.memory_space<hbm>> -> memref<16xf32, #tpu.memory_space<hbm>>
      tpu.enqueue_dma source(%dma_start3A_222 : memref<16xf32, #tpu.memory_space<hbm>>) target(%dma_start3A_219 : memref<16xf32, #tpu.memory_space<vmem>>) target_semaphore(%arg7 : memref<!tpu.dma_semaphore, #tpu.memory_space<semaphore_mem>>)
      %slice3A_223 = vector.extract_strided_slice %shift_right_logical3A_23 {offsets = [10], sizes = [1], strides = [1]} : vector<16xi32> to vector<1xi32>
      %squeeze3A_224 = vector.extract %slice3A_223[0] : i32 from vector<1xi32>
      %slice3A_225 = vector.extract_strided_slice %and3A_25 {offsets = [10], sizes = [1], strides = [1]} : vector<16xi32> to vector<1xi32>
      %squeeze3A_226 = vector.extract %slice3A_225[0] : i32 from vector<1xi32>
      %mul3A_227 = arith.constant 16 : i32
      %mul3A_228 = arith.muli %scan3A_16, %mul3A_227 : i32
      %add3A_229 = arith.constant 10 : i32
      %add3A_230 = arith.addi %mul3A_228, %add3A_229 : i32
      %dma_start3A_231 = arith.constant 0 : i32
      %dma_start3A_232 = tpu.memref_slice %arg6[%add3A_230, %dma_start3A_231] : memref<512x16xf32, #tpu.memory_space<vmem>> -> memref<1x16xf32, #tpu.memory_space<vmem>>
      %dma_start3A_233 = tpu.memref_squeeze %dma_start3A_232 : memref<1x16xf32, #tpu.memory_space<vmem>> -> memref<16xf32, #tpu.memory_space<vmem>>
      %dma_start3A_234 = arith.constant 0 : i32
      %dma_start3A_235 = tpu.memref_slice %arg3[%squeeze3A_224, %squeeze3A_226, %dma_start3A_234] : memref<125000x8x16xf32, #tpu.memory_space<hbm>> -> memref<1x1x16xf32, #tpu.memory_space<hbm>>
      %dma_start3A_236 = tpu.memref_squeeze %dma_start3A_235 : memref<1x1x16xf32, #tpu.memory_space<hbm>> -> memref<16xf32, #tpu.memory_space<hbm>>
      %dma_start3A_237 = arith.constant 0 : i32
      %dma_start3A_238 = tpu.memref_slice %arg6[%add3A_230, %dma_start3A_237] : memref<512x16xf32, #tpu.memory_space<vmem>> -> memref<1x16xf32, #tpu.memory_space<vmem>>
      %dma_start3A_239 = tpu.memref_squeeze %dma_start3A_238 : memref<1x16xf32, #tpu.memory_space<vmem>> -> memref<16xf32, #tpu.memory_space<vmem>>
      %dma_start3A_240 = arith.constant 0 : i32
      %dma_start3A_241 = tpu.memref_slice %arg3[%squeeze3A_224, %squeeze3A_226, %dma_start3A_240] : memref<125000x8x16xf32, #tpu.memory_space<hbm>> -> memref<1x1x16xf32, #tpu.memory_space<hbm>>
      %dma_start3A_242 = tpu.memref_squeeze %dma_start3A_241 : memref<1x1x16xf32, #tpu.memory_space<hbm>> -> memref<16xf32, #tpu.memory_space<hbm>>
      tpu.enqueue_dma source(%dma_start3A_242 : memref<16xf32, #tpu.memory_space<hbm>>) target(%dma_start3A_239 : memref<16xf32, #tpu.memory_space<vmem>>) target_semaphore(%arg7 : memref<!tpu.dma_semaphore, #tpu.memory_space<semaphore_mem>>)
      %slice3A_243 = vector.extract_strided_slice %shift_right_logical3A_23 {offsets = [11], sizes = [1], strides = [1]} : vector<16xi32> to vector<1xi32>
      %squeeze3A_244 = vector.extract %slice3A_243[0] : i32 from vector<1xi32>
      %slice3A_245 = vector.extract_strided_slice %and3A_25 {offsets = [11], sizes = [1], strides = [1]} : vector<16xi32> to vector<1xi32>
      %squeeze3A_246 = vector.extract %slice3A_245[0] : i32 from vector<1xi32>
      %mul3A_247 = arith.constant 16 : i32
      %mul3A_248 = arith.muli %scan3A_16, %mul3A_247 : i32
      %add3A_249 = arith.constant 11 : i32
      %add3A_250 = arith.addi %mul3A_248, %add3A_249 : i32
      %dma_start3A_251 = arith.constant 0 : i32
      %dma_start3A_252 = tpu.memref_slice %arg6[%add3A_250, %dma_start3A_251] : memref<512x16xf32, #tpu.memory_space<vmem>> -> memref<1x16xf32, #tpu.memory_space<vmem>>
      %dma_start3A_253 = tpu.memref_squeeze %dma_start3A_252 : memref<1x16xf32, #tpu.memory_space<vmem>> -> memref<16xf32, #tpu.memory_space<vmem>>
      %dma_start3A_254 = arith.constant 0 : i32
      %dma_start3A_255 = tpu.memref_slice %arg3[%squeeze3A_244, %squeeze3A_246, %dma_start3A_254] : memref<125000x8x16xf32, #tpu.memory_space<hbm>> -> memref<1x1x16xf32, #tpu.memory_space<hbm>>
      %dma_start3A_256 = tpu.memref_squeeze %dma_start3A_255 : memref<1x1x16xf32, #tpu.memory_space<hbm>> -> memref<16xf32, #tpu.memory_space<hbm>>
      %dma_start3A_257 = arith.constant 0 : i32
      %dma_start3A_258 = tpu.memref_slice %arg6[%add3A_250, %dma_start3A_257] : memref<512x16xf32, #tpu.memory_space<vmem>> -> memref<1x16xf32, #tpu.memory_space<vmem>>
      %dma_start3A_259 = tpu.memref_squeeze %dma_start3A_258 : memref<1x16xf32, #tpu.memory_space<vmem>> -> memref<16xf32, #tpu.memory_space<vmem>>
      %dma_start3A_260 = arith.constant 0 : i32
      %dma_start3A_261 = tpu.memref_slice %arg3[%squeeze3A_244, %squeeze3A_246, %dma_start3A_260] : memref<125000x8x16xf32, #tpu.memory_space<hbm>> -> memref<1x1x16xf32, #tpu.memory_space<hbm>>
      %dma_start3A_262 = tpu.memref_squeeze %dma_start3A_261 : memref<1x1x16xf32, #tpu.memory_space<hbm>> -> memref<16xf32, #tpu.memory_space<hbm>>
      tpu.enqueue_dma source(%dma_start3A_262 : memref<16xf32, #tpu.memory_space<hbm>>) target(%dma_start3A_259 : memref<16xf32, #tpu.memory_space<vmem>>) target_semaphore(%arg7 : memref<!tpu.dma_semaphore, #tpu.memory_space<semaphore_mem>>)
      %slice3A_263 = vector.extract_strided_slice %shift_right_logical3A_23 {offsets = [12], sizes = [1], strides = [1]} : vector<16xi32> to vector<1xi32>
      %squeeze3A_264 = vector.extract %slice3A_263[0] : i32 from vector<1xi32>
      %slice3A_265 = vector.extract_strided_slice %and3A_25 {offsets = [12], sizes = [1], strides = [1]} : vector<16xi32> to vector<1xi32>
      %squeeze3A_266 = vector.extract %slice3A_265[0] : i32 from vector<1xi32>
      %mul3A_267 = arith.constant 16 : i32
      %mul3A_268 = arith.muli %scan3A_16, %mul3A_267 : i32
      %add3A_269 = arith.constant 12 : i32
      %add3A_270 = arith.addi %mul3A_268, %add3A_269 : i32
      %dma_start3A_271 = arith.constant 0 : i32
      %dma_start3A_272 = tpu.memref_slice %arg6[%add3A_270, %dma_start3A_271] : memref<512x16xf32, #tpu.memory_space<vmem>> -> memref<1x16xf32, #tpu.memory_space<vmem>>
      %dma_start3A_273 = tpu.memref_squeeze %dma_start3A_272 : memref<1x16xf32, #tpu.memory_space<vmem>> -> memref<16xf32, #tpu.memory_space<vmem>>
      %dma_start3A_274 = arith.constant 0 : i32
      %dma_start3A_275 = tpu.memref_slice %arg3[%squeeze3A_264, %squeeze3A_266, %dma_start3A_274] : memref<125000x8x16xf32, #tpu.memory_space<hbm>> -> memref<1x1x16xf32, #tpu.memory_space<hbm>>
      %dma_start3A_276 = tpu.memref_squeeze %dma_start3A_275 : memref<1x1x16xf32, #tpu.memory_space<hbm>> -> memref<16xf32, #tpu.memory_space<hbm>>
      %dma_start3A_277 = arith.constant 0 : i32
      %dma_start3A_278 = tpu.memref_slice %arg6[%add3A_270, %dma_start3A_277] : memref<512x16xf32, #tpu.memory_space<vmem>> -> memref<1x16xf32, #tpu.memory_space<vmem>>
      %dma_start3A_279 = tpu.memref_squeeze %dma_start3A_278 : memref<1x16xf32, #tpu.memory_space<vmem>> -> memref<16xf32, #tpu.memory_space<vmem>>
      %dma_start3A_280 = arith.constant 0 : i32
      %dma_start3A_281 = tpu.memref_slice %arg3[%squeeze3A_264, %squeeze3A_266, %dma_start3A_280] : memref<125000x8x16xf32, #tpu.memory_space<hbm>> -> memref<1x1x16xf32, #tpu.memory_space<hbm>>
      %dma_start3A_282 = tpu.memref_squeeze %dma_start3A_281 : memref<1x1x16xf32, #tpu.memory_space<hbm>> -> memref<16xf32, #tpu.memory_space<hbm>>
      tpu.enqueue_dma source(%dma_start3A_282 : memref<16xf32, #tpu.memory_space<hbm>>) target(%dma_start3A_279 : memref<16xf32, #tpu.memory_space<vmem>>) target_semaphore(%arg7 : memref<!tpu.dma_semaphore, #tpu.memory_space<semaphore_mem>>)
      %slice3A_283 = vector.extract_strided_slice %shift_right_logical3A_23 {offsets = [13], sizes = [1], strides = [1]} : vector<16xi32> to vector<1xi32>
      %squeeze3A_284 = vector.extract %slice3A_283[0] : i32 from vector<1xi32>
      %slice3A_285 = vector.extract_strided_slice %and3A_25 {offsets = [13], sizes = [1], strides = [1]} : vector<16xi32> to vector<1xi32>
      %squeeze3A_286 = vector.extract %slice3A_285[0] : i32 from vector<1xi32>
      %mul3A_287 = arith.constant 16 : i32
      %mul3A_288 = arith.muli %scan3A_16, %mul3A_287 : i32
      %add3A_289 = arith.constant 13 : i32
      %add3A_290 = arith.addi %mul3A_288, %add3A_289 : i32
      %dma_start3A_291 = arith.constant 0 : i32
      %dma_start3A_292 = tpu.memref_slice %arg6[%add3A_290, %dma_start3A_291] : memref<512x16xf32, #tpu.memory_space<vmem>> -> memref<1x16xf32, #tpu.memory_space<vmem>>
      %dma_start3A_293 = tpu.memref_squeeze %dma_start3A_292 : memref<1x16xf32, #tpu.memory_space<vmem>> -> memref<16xf32, #tpu.memory_space<vmem>>
      %dma_start3A_294 = arith.constant 0 : i32
      %dma_start3A_295 = tpu.memref_slice %arg3[%squeeze3A_284, %squeeze3A_286, %dma_start3A_294] : memref<125000x8x16xf32, #tpu.memory_space<hbm>> -> memref<1x1x16xf32, #tpu.memory_space<hbm>>
      %dma_start3A_296 = tpu.memref_squeeze %dma_start3A_295 : memref<1x1x16xf32, #tpu.memory_space<hbm>> -> memref<16xf32, #tpu.memory_space<hbm>>
      %dma_start3A_297 = arith.constant 0 : i32
      %dma_start3A_298 = tpu.memref_slice %arg6[%add3A_290, %dma_start3A_297] : memref<512x16xf32, #tpu.memory_space<vmem>> -> memref<1x16xf32, #tpu.memory_space<vmem>>
      %dma_start3A_299 = tpu.memref_squeeze %dma_start3A_298 : memref<1x16xf32, #tpu.memory_space<vmem>> -> memref<16xf32, #tpu.memory_space<vmem>>
      %dma_start3A_300 = arith.constant 0 : i32
      %dma_start3A_301 = tpu.memref_slice %arg3[%squeeze3A_284, %squeeze3A_286, %dma_start3A_300] : memref<125000x8x16xf32, #tpu.memory_space<hbm>> -> memref<1x1x16xf32, #tpu.memory_space<hbm>>
      %dma_start3A_302 = tpu.memref_squeeze %dma_start3A_301 : memref<1x1x16xf32, #tpu.memory_space<hbm>> -> memref<16xf32, #tpu.memory_space<hbm>>
      tpu.enqueue_dma source(%dma_start3A_302 : memref<16xf32, #tpu.memory_space<hbm>>) target(%dma_start3A_299 : memref<16xf32, #tpu.memory_space<vmem>>) target_semaphore(%arg7 : memref<!tpu.dma_semaphore, #tpu.memory_space<semaphore_mem>>)
      %slice3A_303 = vector.extract_strided_slice %shift_right_logical3A_23 {offsets = [14], sizes = [1], strides = [1]} : vector<16xi32> to vector<1xi32>
      %squeeze3A_304 = vector.extract %slice3A_303[0] : i32 from vector<1xi32>
      %slice3A_305 = vector.extract_strided_slice %and3A_25 {offsets = [14], sizes = [1], strides = [1]} : vector<16xi32> to vector<1xi32>
      %squeeze3A_306 = vector.extract %slice3A_305[0] : i32 from vector<1xi32>
      %mul3A_307 = arith.constant 16 : i32
      %mul3A_308 = arith.muli %scan3A_16, %mul3A_307 : i32
      %add3A_309 = arith.constant 14 : i32
      %add3A_310 = arith.addi %mul3A_308, %add3A_309 : i32
      %dma_start3A_311 = arith.constant 0 : i32
      %dma_start3A_312 = tpu.memref_slice %arg6[%add3A_310, %dma_start3A_311] : memref<512x16xf32, #tpu.memory_space<vmem>> -> memref<1x16xf32, #tpu.memory_space<vmem>>
      %dma_start3A_313 = tpu.memref_squeeze %dma_start3A_312 : memref<1x16xf32, #tpu.memory_space<vmem>> -> memref<16xf32, #tpu.memory_space<vmem>>
      %dma_start3A_314 = arith.constant 0 : i32
      %dma_start3A_315 = tpu.memref_slice %arg3[%squeeze3A_304, %squeeze3A_306, %dma_start3A_314] : memref<125000x8x16xf32, #tpu.memory_space<hbm>> -> memref<1x1x16xf32, #tpu.memory_space<hbm>>
      %dma_start3A_316 = tpu.memref_squeeze %dma_start3A_315 : memref<1x1x16xf32, #tpu.memory_space<hbm>> -> memref<16xf32, #tpu.memory_space<hbm>>
      %dma_start3A_317 = arith.constant 0 : i32
      %dma_start3A_318 = tpu.memref_slice %arg6[%add3A_310, %dma_start3A_317] : memref<512x16xf32, #tpu.memory_space<vmem>> -> memref<1x16xf32, #tpu.memory_space<vmem>>
      %dma_start3A_319 = tpu.memref_squeeze %dma_start3A_318 : memref<1x16xf32, #tpu.memory_space<vmem>> -> memref<16xf32, #tpu.memory_space<vmem>>
      %dma_start3A_320 = arith.constant 0 : i32
      %dma_start3A_321 = tpu.memref_slice %arg3[%squeeze3A_304, %squeeze3A_306, %dma_start3A_320] : memref<125000x8x16xf32, #tpu.memory_space<hbm>> -> memref<1x1x16xf32, #tpu.memory_space<hbm>>
      %dma_start3A_322 = tpu.memref_squeeze %dma_start3A_321 : memref<1x1x16xf32, #tpu.memory_space<hbm>> -> memref<16xf32, #tpu.memory_space<hbm>>
      tpu.enqueue_dma source(%dma_start3A_322 : memref<16xf32, #tpu.memory_space<hbm>>) target(%dma_start3A_319 : memref<16xf32, #tpu.memory_space<vmem>>) target_semaphore(%arg7 : memref<!tpu.dma_semaphore, #tpu.memory_space<semaphore_mem>>)
      %slice3A_323 = vector.extract_strided_slice %shift_right_logical3A_23 {offsets = [15], sizes = [1], strides = [1]} : vector<16xi32> to vector<1xi32>
      %squeeze3A_324 = vector.extract %slice3A_323[0] : i32 from vector<1xi32>
      %slice3A_325 = vector.extract_strided_slice %and3A_25 {offsets = [15], sizes = [1], strides = [1]} : vector<16xi32> to vector<1xi32>
      %squeeze3A_326 = vector.extract %slice3A_325[0] : i32 from vector<1xi32>
      %mul3A_327 = arith.constant 16 : i32
      %mul3A_328 = arith.muli %scan3A_16, %mul3A_327 : i32
      %add3A_329 = arith.constant 15 : i32
      %add3A_330 = arith.addi %mul3A_328, %add3A_329 : i32
      %dma_start3A_331 = arith.constant 0 : i32
      %dma_start3A_332 = tpu.memref_slice %arg6[%add3A_330, %dma_start3A_331] : memref<512x16xf32, #tpu.memory_space<vmem>> -> memref<1x16xf32, #tpu.memory_space<vmem>>
      %dma_start3A_333 = tpu.memref_squeeze %dma_start3A_332 : memref<1x16xf32, #tpu.memory_space<vmem>> -> memref<16xf32, #tpu.memory_space<vmem>>
      %dma_start3A_334 = arith.constant 0 : i32
      %dma_start3A_335 = tpu.memref_slice %arg3[%squeeze3A_324, %squeeze3A_326, %dma_start3A_334] : memref<125000x8x16xf32, #tpu.memory_space<hbm>> -> memref<1x1x16xf32, #tpu.memory_space<hbm>>
      %dma_start3A_336 = tpu.memref_squeeze %dma_start3A_335 : memref<1x1x16xf32, #tpu.memory_space<hbm>> -> memref<16xf32, #tpu.memory_space<hbm>>
      %dma_start3A_337 = arith.constant 0 : i32
      %dma_start3A_338 = tpu.memref_slice %arg6[%add3A_330, %dma_start3A_337] : memref<512x16xf32, #tpu.memory_space<vmem>> -> memref<1x16xf32, #tpu.memory_space<vmem>>
      %dma_start3A_339 = tpu.memref_squeeze %dma_start3A_338 : memref<1x16xf32, #tpu.memory_space<vmem>> -> memref<16xf32, #tpu.memory_space<vmem>>
      %dma_start3A_340 = arith.constant 0 : i32
      %dma_start3A_341 = tpu.memref_slice %arg3[%squeeze3A_324, %squeeze3A_326, %dma_start3A_340] : memref<125000x8x16xf32, #tpu.memory_space<hbm>> -> memref<1x1x16xf32, #tpu.memory_space<hbm>>
      %dma_start3A_342 = tpu.memref_squeeze %dma_start3A_341 : memref<1x1x16xf32, #tpu.memory_space<hbm>> -> memref<16xf32, #tpu.memory_space<hbm>>
      tpu.enqueue_dma source(%dma_start3A_342 : memref<16xf32, #tpu.memory_space<hbm>>) target(%dma_start3A_339 : memref<16xf32, #tpu.memory_space<vmem>>) target_semaphore(%arg7 : memref<!tpu.dma_semaphore, #tpu.memory_space<semaphore_mem>>)
      %scan3A_343 = arith.constant 0 : i32
      scf.yield %scan3A_343 : i32
    }
    %scan3A_8 = arith.constant 32 : i32
    %scan3A_9 = arith.constant 0 : i32
    %scan3A_10 = arith.constant 0 : i32
    %scan3A_11 = arith.constant 512 : i32
    %scan3A_12 = arith.addi %scan3A_10, %scan3A_11 : i32
    %scan3A_13 = arith.constant 1 : i32
    %scan3A_14 = scf.for %scan3A_16 = %scan3A_10 to %scan3A_12 step %scan3A_13 iter_args(%scan3A_17 = %scan3A_9) -> (i32)  : i32 {
      %dma_wait3A = arith.constant 0 : i32
      %dma_wait3A_18 = arith.constant 0 : i32
      %dma_wait3A_19 = arith.constant 0 : i32
      %dma_wait3A_20 = arith.constant 0 : i32
      %dma_wait3A_21 = tpu.memref_slice %arg6[%dma_wait3A_19, %dma_wait3A_20] : memref<512x16xf32, #tpu.memory_space<vmem>> -> memref<1x16xf32, #tpu.memory_space<vmem>>
      %dma_wait3A_22 = tpu.memref_squeeze %dma_wait3A_21 : memref<1x16xf32, #tpu.memory_space<vmem>> -> memref<16xf32, #tpu.memory_space<vmem>>
      %dma_wait3A_23 = arith.constant 0 : i32
      %dma_wait3A_24 = tpu.memref_slice %arg3[%dma_wait3A, %dma_wait3A_18, %dma_wait3A_23] : memref<125000x8x16xf32, #tpu.memory_space<hbm>> -> memref<1x1x16xf32, #tpu.memory_space<hbm>>
      %dma_wait3A_25 = tpu.memref_squeeze %dma_wait3A_24 : memref<1x1x16xf32, #tpu.memory_space<hbm>> -> memref<16xf32, #tpu.memory_space<hbm>>
      %dma_wait3A_26 = arith.constant 0 : i32
      %dma_wait3A_27 = tpu.memref_slice %arg6[%dma_wait3A_19, %dma_wait3A_26] : memref<512x16xf32, #tpu.memory_space<vmem>> -> memref<1x16xf32, #tpu.memory_space<vmem>>
      %dma_wait3A_28 = tpu.memref_squeeze %dma_wait3A_27 : memref<1x16xf32, #tpu.memory_space<vmem>> -> memref<16xf32, #tpu.memory_space<vmem>>
      %dma_wait3A_29 = arith.constant 0 : i32
      %dma_wait3A_30 = tpu.memref_slice %arg3[%dma_wait3A, %dma_wait3A_18, %dma_wait3A_29] : memref<125000x8x16xf32, #tpu.memory_space<hbm>> -> memref<1x1x16xf32, #tpu.memory_space<hbm>>
      %dma_wait3A_31 = tpu.memref_squeeze %dma_wait3A_30 : memref<1x1x16xf32, #tpu.memory_space<hbm>> -> memref<16xf32, #tpu.memory_space<hbm>>
      tpu.wait_dma2 semaphore(%arg7 : memref<!tpu.dma_semaphore, #tpu.memory_space<semaphore_mem>>) src(%dma_wait3A_31 : memref<16xf32, #tpu.memory_space<hbm>>) dst(%dma_wait3A_28 : memref<16xf32, #tpu.memory_space<vmem>>)
      %scan3A_32 = arith.constant 0 : i32
      scf.yield %scan3A_32 : i32
    }
    %scan3A_15 = arith.constant 512 : i32
    "tpu.region"() ({
      %run_scoped3A = tpu.sem_alloc : memref<!tpu.dma_semaphore, #tpu.memory_space<semaphore_mem>>
      %dma_start3A = arith.constant 0 : i32
      %dma_start3A_16 = tpu.memref_slice %arg4[%mul3A_2, %dma_start3A] : memref<16384x16xf32, #tpu.memory_space<hbm>> -> memref<512x16xf32, #tpu.memory_space<hbm>>
      %dma_start3A_17 = arith.constant 0 : i32
      %dma_start3A_18 = tpu.memref_slice %arg4[%mul3A_2, %dma_start3A_17] : memref<16384x16xf32, #tpu.memory_space<hbm>> -> memref<512x16xf32, #tpu.memory_space<hbm>>
      tpu.enqueue_dma source(%arg6 : memref<512x16xf32, #tpu.memory_space<vmem>>) target(%dma_start3A_18 : memref<512x16xf32, #tpu.memory_space<hbm>>) target_semaphore(%run_scoped3A : memref<!tpu.dma_semaphore, #tpu.memory_space<semaphore_mem>>)
      %dma_wait3A = arith.constant 0 : i32
      %dma_wait3A_19 = tpu.memref_slice %arg4[%mul3A_2, %dma_wait3A] : memref<16384x16xf32, #tpu.memory_space<hbm>> -> memref<512x16xf32, #tpu.memory_space<hbm>>
      %dma_wait3A_20 = arith.constant 0 : i32
      %dma_wait3A_21 = tpu.memref_slice %arg4[%mul3A_2, %dma_wait3A_20] : memref<16384x16xf32, #tpu.memory_space<hbm>> -> memref<512x16xf32, #tpu.memory_space<hbm>>
      tpu.wait_dma2 semaphore(%run_scoped3A : memref<!tpu.dma_semaphore, #tpu.memory_space<semaphore_mem>>) src(%arg6 : memref<512x16xf32, #tpu.memory_space<vmem>>) dst(%dma_wait3A_21 : memref<512x16xf32, #tpu.memory_space<hbm>>)
      tpu.yield
    }) : () -> ()
    return
  }
}

</mosaic_0001>

<sc_bundles>
// kernel: kernel.3.cloned.1.call-start
scs
__scs_entry_jumppad:
0x0: {  	(pc) =	sbr.rel $0x88, $3  }
0x1: {  	(tag) =	ssettag $0x0;
	lr =	simm.s32 $0x1  }
0x2: {  	[smem:$0x3F9F] =	sst lr;
	_ =	strace $0xD0000000  }
0x3: {  	_ = 	snop  }
0x4: {  	_ = 	snop  }
0x5: {  	_ = 	snop  }
0x6: {  	_ = 	snop  }
0x7: {  	_ = 	snop  }
__scs_overlays_trampoline_lowered:
0x8: {  	[smem:$0x3FAE] =	sst s0  }
0x9: {  	[smem:$0x3FAF] =	sst s1  }
0xa: {  	[smem:$0x3FB0] =	sst s2  }
0xb: {  	[smem:$0x3FB1] =	sst s3  }
0xc: {  	[smem:$0x3FB2] =	sst s4  }
0xd: {  	[smem:$0x3FB3] =	sst s5  }
0xe: {  	[smem:$0x3FB4] =	sst s6  }
0xf: {  	[smem:$0x3FB5] =	sst s7  }
0x10: {  	[smem:$0x3FB6] =	sst s8  }
0x11: {  	[smem:$0x3FB7] =	sst s9;
	s0 =	simm.s32 @!p0 $0x0  }
0x12: {  	s1 =	sld [smem:$0x3F9D];
	s0 =	simm.s32 @p0 $0x1  }
0x13: {  	[smem:$0x3FB8] =	sst s0;
	s0 =	simm.s32 @!p1 $0x0  }
0x14: {  	s2 =	sld [smem:$0x3F9C];
	s0 =	simm.s32 @p1 $0x1  }
0x15: {  	[smem:$0x3FB9] =	sst s0;
	s0 =	simm.s32 @!p2 $0x0  }
0x16: {  	s3 =	sld [smem:$0x3FDB];
	s0 =	simm.s32 @p2 $0x1  }
0x17: {  	s4 =	simm.s32 $0x1BF5;
	[smem:$0x3FBB] =	sst s0  }
0x18: {  	s0 =	sld [smem:$0x3F9E];
	_ =	swait.ge [sflag:s4], $0x0  }
0x19: {  	s7 =	sld [smem:$0x3F9F]  }
0x1a: {  	s8 =	sadd.s32 $0xFFFFE003, lr  }
0x1b: {  	s9 =	sadd.s32 $0xFFFFFEF7, lr;
	s5 =	simm.s32 $0xFFFFFFFF;
	p2 =	slt.u32 s8, $0xFFFFF086  }
0x1c: {  	p1 =	slt.u32 s9, $0xF7A;
	s5 =	simm.s32 @!p2 $0x0  }
0x1d: {  	s5 =	simm.s32 @p1 $0x1;
	p0 =	seq.s32 s7, s2  }
0x1e: {  	s7 =	smul.u32 @!p0 $0xF7A, s2;
	p2 =	seq.s32 @!p0 s5, $0x0  }
0x1f: {  	s9 =	smul.u32 $0xF7A, s1;
	s8 =	simm.s32 @!p0 $0x1BF5;
	p2 =	por !p2, p0  }
0x20: {  	[sflag:s8] =	ssyncset.s32 @!p0 $0xFFFFF086;
	s6 =	sadd.s32 @!p0 s3, s7;
	s7 =	simm.s32 @!p0 $0x108  }
0x21: {  	s3 =	sadd.s32 s3, s9;
	s6 =	sadd.s32 @!p0 $0x88, s6;
	s7 =	simm.s32 @p2 $0x1082  }
0x22: {  	[simem:s7], [sflag:s8] =	dma.local @!p0 [hbm:s6], $0xF7A  }
0x23: {  	s9 =	sor.u32 $0xD0000000, s2;
	s6 =	simm.s32 $0x108;
	_ =	swait.ge @!p0 [sflag:s8], $0x0  }
0x24: {  	s3 =	sadd.s32 $0x88, s3;
	s6 =	simm.s32 @!p1 $0x1082;
	[sflag:s4] =	ssyncset.s32 $0xFFFFF086  }
0x25: {  	[simem:s6], [sflag:s4] =	dma.local [hbm:s3], $0xF7A  }
0x26: {  	[smem:$0x3F9F] =	sst s1;
	(tag) =	ssettag s2;
	_ =	strace s9  }
0x27: {  	s1 =	sld [smem:$0x3FAF]  }
0x28: {  	s2 =	sld [smem:$0x3FB0]  }
0x29: {  	s4 =	sld [smem:$0x3FB2]  }
0x2a: {  	p0 =	seq.s32 s5, $0x0;
	s5 =	sld [smem:$0x3FB3]  }
0x2b: {  	s6 =	sld [smem:$0x3FB4]  }
0x2c: {  	s7 =	sld [smem:$0x3FB5]  }
0x2d: {  	s3 =	simm.s32 $0x108;
	s8 =	sld [smem:$0x3FB6]  }
0x2e: {  	s3 =	simm.s32 @!p0 $0x1082;
	s9 =	sld [smem:$0x3FB7]  }
0x2f: {  	lr =	sadd.s32 s0, s3;
	s0 =	sld [smem:$0x3FAE]  }
0x30: {  	s3 =	sld [smem:$0x3FB1]  }
0x31: {  	[smem:$0x3FBA] =	sst s10  }
0x32: {  	s10 =	sld [smem:$0x3FB8];
	_ =	sdelay $0x3  }
0x33: {  	p0 =	seq.s32 s10, $0x1;
	s10 =	sld [smem:$0x3FBA];
	_ =	sdelay $0x3  }
0x34: {  	[smem:$0x3FBA] =	sst s10  }
0x35: {  	s10 =	sld [smem:$0x3FB9];
	_ =	sdelay $0x3  }
0x36: {  	p1 =	seq.s32 s10, $0x1;
	s10 =	sld [smem:$0x3FBA];
	_ =	sdelay $0x3  }
0x37: {  	[smem:$0x3FBA] =	sst s10  }
0x38: {  	s10 =	sld [smem:$0x3FBB]  }
0x39: {  	_ = 	snop;
	(pc) =	sbr.ind lr, $3  }
0x3a: {  	_ = 	snop  }
0x3b: {  	_ = 	snop  }
0x3c: {  	p2 =	seq.s32 s10, $0x1;
	s10 =	sld [smem:$0x3FBA]  }
0x3d: {  	_ =	shalt  }
0x3e: {  	_ =	shalt  }
0x3f: {  	_ =	shalt  }
0x40: {  	_ =	shalt  }
0x41: {  	_ =	shalt  }
0x42: {  	_ =	shalt  }
0x43: {  	_ =	shalt  }
0x44: {  	_ =	shalt  }
0x45: {  	_ =	shalt  }
0x46: {  	_ =	shalt  }
0x47: {  	_ =	shalt  }
0x48: {  	_ =	shalt  }
0x49: {  	_ =	shalt  }
0x4a: {  	_ =	shalt  }
0x4b: {  	_ =	shalt  }
0x4c: {  	_ =	shalt  }
0x4d: {  	_ =	shalt  }
0x4e: {  	_ =	shalt  }
0x4f: {  	_ =	shalt  }
0x50: {  	_ =	shalt  }
0x51: {  	_ =	shalt  }
0x52: {  	_ =	shalt  }
0x53: {  	_ =	shalt  }
0x54: {  	_ =	shalt  }
0x55: {  	_ =	shalt  }
0x56: {  	_ =	shalt  }
0x57: {  	_ =	shalt  }
0x58: {  	_ =	shalt  }
0x59: {  	_ =	shalt  }
0x5a: {  	_ =	shalt  }
0x5b: {  	_ =	shalt  }
0x5c: {  	_ =	shalt  }
0x5d: {  	_ =	shalt  }
0x5e: {  	_ =	shalt  }
0x5f: {  	_ =	shalt  }
0x60: {  	_ =	shalt  }
0x61: {  	_ =	shalt  }
0x62: {  	_ =	shalt  }
0x63: {  	_ =	shalt  }
0x64: {  	_ =	shalt  }
0x65: {  	_ =	shalt  }
0x66: {  	_ =	shalt  }
0x67: {  	_ =	shalt  }
0x68: {  	_ =	shalt  }
0x69: {  	_ =	shalt  }
0x6a: {  	_ =	shalt  }
0x6b: {  	_ =	shalt  }
0x6c: {  	_ =	shalt  }
0x6d: {  	_ =	shalt  }
0x6e: {  	_ =	shalt  }
0x6f: {  	_ =	shalt  }
0x70: {  	_ =	shalt  }
0x71: {  	_ =	shalt  }
0x72: {  	_ =	shalt  }
0x73: {  	_ =	shalt  }
0x74: {  	_ =	shalt  }
0x75: {  	_ =	shalt  }
0x76: {  	_ =	shalt  }
0x77: {  	_ =	shalt  }
0x78: {  	_ =	shalt  }
0x79: {  	_ =	shalt  }
0x7a: {  	_ =	shalt  }
0x7b: {  	_ =	shalt  }
0x7c: {  	_ =	shalt  }
0x7d: {  	_ =	shalt  }
0x7e: {  	_ =	shalt  }
0x7f: {  	_ =	shalt  }
0x80: {  	_ =	shalt  }
0x81: {  	_ =	shalt  }
0x82: {  	_ =	shalt  }
0x83: {  	_ =	shalt  }
0x84: {  	_ =	shalt  }
0x85: {  	_ =	shalt  }
0x86: {  	_ =	shalt  }
0x87: {  	_ =	shalt  }
.Lfunc_end0:
.L_simem_size_0:
called_computation_lowered:
.L_overlay_start_0:
0x88: {  	s2 =	sld [smem:$0x3FD9]  }
0x89: {  	s3 =	sld [smem:$0x3FFE];
	_ =	sdelay $0x1  }
0x8a: {  	s1 =	srdreg.scid  }
0x8b: {  	s0 =	sand.u32 $0x1, s1  }
0x8c: {  	s17 =	sshll.u32 s0, $0xA;
	s2 =	sadd.s32 s3, s2  }
0x8d: {  	s2 =	sadd.s32 s2, s17  }
0x8e: {  	[smem:$0x3FC6] =	sst s2  }
0x8f: {  	_ = 	snop  }
0x90: {  	s2 =	sld [smem:$0x3FC9];
	(tm) =	ssettm $0x1  }
0x91: {  	s18 =	sld [smem:$0x3FFB];
	_ =	sdelay $0x3  }
0x92: {  	_ =	strace s18  }
0x93: {  	s3 =	sld [smem:$0x3FFC];
	_ =	sdelay $0x3  }
0x94: {  	_ =	strace s3  }
0x95: {  	s3 =	sld [smem:$0x3FFD];
	_ =	sdelay $0x3  }
0x96: {  	_ =	strace s3  }
0x97: {  	_ =	strace $0x8FFFFFFF  }
0x98: {  	s19 =	sld [smem:$0x3FDB];
	_ =	sdelay $0x1  }
0x99: {  	s4 =	simm.s32 $_scs_section_size  }
0x9a: {  	s5 =	simm.s32 $_size__tile_overlayer_lowered;
	s6 =	simm.s32 $_tile_overlayer_lowered  }
0x9b: {  	s22 =	simm.s32 $0x1BFF;
	s21 =	sshll.u32 s6, $0x1;
	s3 =	sadd.s32 s4, s19  }
0x9c: {  	s7 =	simm.s32 $0x0;
	s20 =	sshll.u32 s5, $0x1;
	s5 =	sadd.s32 s21, s3  }
0x9d: {  	[timem:s7], [sflag:s22] =	dma.local [hbm:s5], s20  }
0x9e: {  	_ =	swait.ge [sflag:s22], s20  }
0x9f: {  	s4 =	ssub.s32 $0x0, s20;
	[sflag:s22] =	ssyncset.done $0x0  }
0xa0: {  	[sflag:s22] =	ssyncadd.s32 s4;
	_ =	sdelay $0x1  }
0xa1: {  	s23 =	simm.s32 $0x1B8B  }
0xa2: {  	_ =	swait.ge [sflag:s23], $0x1  }
0xa3: {  	[sflag:s23] =	ssyncset.done $0x0  }
0xa4: {  	s25 =	simm.s32 $0x1B8E;
	s24 =	sld [smem:$0x3FFE];
	[sflag:s23] =	ssyncadd.s32 $0xFFFFFFFF  }
0xa5: {  	s26 =	simm.s32 $execute0_lowered;
	[smem:$0x3FD2] =	sst s25  }
0xa6: {  	s5 =	sshll.u32 s26, $0x1;
	_ =	strace $0x80000046;
	[dreg:$0x1] =	wrdreg $0xFFFFFFFF  }
0xa7: {  	s28 =	simm.s32 $_size_execute0_lowered;
	s3 =	sadd.s32 s3, s5;
	[dreg:$0x0] =	wrdreg $0x0  }
0xa8: {  	s5 =	sshll.u32 s28, $0x1;
	[dreg:$0x2] =	wrdreg s3  }
0xa9: {  	[dreg:$0x3] =	wrdreg s5  }
0xaa: {  	[dreg:$0x4] =	wrdreg $0xC0  }
0xab: {  	_ =	task [dreg:s7], $0x5FFFF  }
0xac: {  	[dreg:$0x1] =	wrdreg $0xFFFFFFFF  }
0xad: {  	[dreg:$0x0] =	wrdreg $0x60  }
0xae: {  	[dreg:$0x2] =	wrdreg s2  }
0xaf: {  	[dreg:$0x3] =	wrdreg s24  }
0xb0: {  	[dreg:$0x4] =	wrdreg $0x9  }
0xb1: {  	_ =	task.clear_ibuf [dreg:s7], $0x5FFFF;
	_ =	strace $0x90000046  }
0xb2: {  	s29 =	simm.s32 $0x9;
	_ =	strace $0x80000048  }
0xb3: {  	_ =	swait.ge [sflag:s29], $0x1  }
0xb4: {  	[sflag:s29] =	ssyncadd.s32 $0xFFFFFFFF  }
0xb5: {  	_ =	strace $0x90000048  }
0xb6: {  	_ =	sfence  }
0xb7: {  	s30 =	sld [smem:$0x0];
	_ =	sdelay $0x2  }
0xb8: {  	s31 =	sshll.u32 s1, $0xD;
	s1 =	sshrl.u32 s1, $0x2  }
0xb9: {  	s3 =	sand.u32 $0x4000, s31;
	s1 =	sadd.s32 s1, s30  }
0xba: {  	s0 =	sor.u32 s3, s0;
	s1 =	sshll.u32 s1, $0x11  }
0xbb: {  	s0 =	sor.u32 s1, s0  }
0xbc: {  	s0 =	sadd.s32 $0x8F2B, s0  }
0xbd: {  	[sflag:s0] =	ssyncadd.remote.s32 $0x1  }
0xbe: {  	_ =	sfence.sel $0xFFFF  }
0xbf: {  	[dreg:$0x0] =	wrdreg $0xFFFFFFFF;
	(pc) =	sbr.abs _section_cstart, $3  }
0xc0: {  	[dreg:$0x1] =	wrdreg $0xFFFFFFFF  }
0xc1: {  	_ =	task.clear_ibuf [dreg:s7], $0x2FFFF;
	_ =	strace $0x9FFFFFFF  }
0xc2: {  	(tm) =	ssettm $0x7FFFFFFF  }
0xc3: {  	_ =	shalt  }
tec
execute0_lowered:
.L_overlay_start_1:
0x0: {  	(tag) =	ssettag $0x1  }
0x1: {  	s4 =	rddreg [dreg:$0x0]  }
0x2: {  	s5 =	rddreg [dreg:$0x1]  }
0x3: {  	s0 =	rddreg [dreg:$0x2];
	s2 =	simm.s32 $0x0;
	s3 =	srdreg.scid  }
0x4: {  	s1 =	stileid.u32;
	s10 =	simm.s32 $0x0;
	s6 =	sand.u32 $0x1, s3  }
0x5: {  	[smem:$0x7FF] =	sst s2;
	s7 =	sshll.u32 s1, $0xA;
	s8 =	sshll.u32 s6, $0x9  }
0x6: {  	s3 =	sadd.s32 $0x400, s5;
	s6 =	ssub.s32 $0x2, s6;
	s7 =	sor.u32 s8, s7  }
0x7: {  	_ =	strace $0x80000047;
	s9 =	sshrl.u32 s6, $0x1;
	s8 =	sshll.u32 s7, $0x4  }
0x8: {  	s7 =	sshrl.u32 s7, $0x3;
	s6 =	ssub.s32 s6, s9;
	s9 =	simm.s32 $0x200  }
0x9: {  	s5 =	sadd.s32 s8, s5;
	s4 =	sadd.s32 s4, s7;
	s6 =	smax.u32 s6, $0x1  }
0xa: {  	s7 =	simm.s32 $0x2;
	s8 =	simm.s32 $0x1;
	s5 =	sadd.s32 $0xF42800, s5  }
.LBB2_1:
0xb: {  	[tilespmem:s2], [sflag:$0x2] =	stream.linear.gather [hbm4b:s4+s2], $0x200, $0x38;
	[tilespmem:$0x10200] =	vst v63  }
0xc: {  	_ =	swait.ge [sflag:s7], $0x200  }
0xd: {  	[sflag:s7] =	ssyncset.done $0x0  }
0xe: {  	s11 =	simm.s32 $0x0;
	s12 =	simm.s32 $0x0;
	[sflag:s7] =	ssyncadd.s32 $0xFFFFFE00  }
.LBB2_2:
0xf: {  	v0 =	vld [tilespmem:s11+$0x0];
	_ =	sdelay $0x4  }
0x10: {  	v1 =	vshrl.u32 v0, $0x3  }
0x11: {  	v0 =	vand.u32 $0x7, v0;
	v1 =	vshll.u32 v1, $0xA  }
0x12: {  	v0 =	vshll.u32 v0, $0x7;
	(v2sf) =	vpush v1, $0x0  }
0x13: {  	(v2sf) =	vpush v0, $0x0;
	_ =	sdelay $0x2  }
0x14: {  	(v2sf) =	vpush v1, $0x1  }
0x15: {  	(v2sf) =	vpush v0, $0x1;
	_ =	sdelay $0x1  }
0x16: {  	(v2sf) =	vpush v1, $0x2;
	_ =	sdelay $0x1  }
0x17: {  	(v2sf) =	vpush v0, $0x2;
	_ =	sdelay $0x5  }
0x18: {  	s13 =	spop (v2sf);
	(v2sf) =	vpush v1, $0x3  }
0x19: {  	s14 =	spop (v2sf);
	(v2sf) =	vpush v0, $0x3;
	_ =	sdelay $0x2  }
0x1a: {  	s17 =	spop (v2sf);
	(v2sf) =	vpush v1, $0x4  }
0x1b: {  	s18 =	spop (v2sf);
	(v2sf) =	vpush v0, $0x4;
	_ =	sdelay $0x1  }
0x1c: {  	s20 =	spop (v2sf);
	(v2sf) =	vpush v1, $0x5;
	_ =	sdelay $0x1  }
0x1d: {  	s21 =	spop (v2sf);
	(v2sf) =	vpush v0, $0x5;
	_ =	sdelay $0x1  }
0x1e: {  	s14 =	sor.u32 s14, s13  }
0x1f: {  	s13 =	sshra.s32 s12, $0x2;
	s14 =	sshrl.u32 s14, $0x3  }
0x20: {  	s15 =	sadd.s32 $0x200, s13;
	s14 =	sadd.s32 s3, s14  }
0x21: {  	[tilespmem:s15], [sflag:$0x1] =	stream.linear.gather [hbm4b:s14+s2], $0x80, $0x38;
	[tilespmem:$0x10200] =	vst v63  }
0x22: {  	s14 =	sor.u32 s18, s17;
	s23 =	spop (v2sf);
	(v2sf) =	vpush v1, $0x6  }
0x23: {  	s14 =	sshrl.u32 s14, $0x3;
	s24 =	spop (v2sf);
	(v2sf) =	vpush v0, $0x6  }
0x24: {  	s19 =	sadd.s32 $0x280, s13;
	s14 =	sadd.s32 s3, s14  }
0x25: {  	[tilespmem:s19], [sflag:$0x1] =	stream.linear.gather [hbm4b:s14+s2], $0x80, $0x38;
	[tilespmem:$0x10200] =	vst v63  }
0x26: {  	s26 =	spop (v2sf);
	(v2sf) =	vpush v1, $0x7  }
0x27: {  	s14 =	sor.u32 s21, s20;
	s28 =	spop (v2sf);
	(v2sf) =	vpush v0, $0x7  }
0x28: {  	s14 =	sshrl.u32 s14, $0x3  }
0x29: {  	s22 =	sadd.s32 $0x300, s13;
	s14 =	sadd.s32 s3, s14;
	s30 =	spop (v2sf);
	(v2sf) =	vpush v1, $0x8  }
0x2a: {  	[tilespmem:s22], [sflag:$0x1] =	stream.linear.gather [hbm4b:s14+s2], $0x80, $0x38;
	[tilespmem:$0x10200] =	vst v63  }
0x2b: {  	s31 =	spop (v2sf);
	(v2sf) =	vpush v0, $0x8  }
0x2c: {  	s14 =	sor.u32 s24, s23  }
0x2d: {  	s14 =	sshrl.u32 s14, $0x3  }
0x2e: {  	s25 =	sadd.s32 $0x380, s13;
	s14 =	sadd.s32 s3, s14  }
0x2f: {  	[tilespmem:s25], [sflag:$0x1] =	stream.linear.gather [hbm4b:s14+s2], $0x80, $0x38;
	[tilespmem:$0x10200] =	vst v63  }
0x30: {  	s14 =	sor.u32 s28, s26  }
0x31: {  	s14 =	sshrl.u32 s14, $0x3;
	s17 =	spop (v2sf);
	(v2sf) =	vpush v1, $0x9  }
0x32: {  	s29 =	sadd.s32 $0x400, s13;
	s14 =	sadd.s32 s3, s14;
	s18 =	spop (v2sf);
	(v2sf) =	vpush v0, $0x9  }
0x33: {  	[tilespmem:s29], [sflag:$0x1] =	stream.linear.gather [hbm4b:s14+s2], $0x80, $0x38;
	[tilespmem:$0x10200] =	vst v63  }
0x34: {  	s14 =	sor.u32 s31, s30  }
0x35: {  	s14 =	sshrl.u32 s14, $0x3;
	s20 =	spop (v2sf);
	(v2sf) =	vpush v1, $0xA  }
0x36: {  	s16 =	sadd.s32 $0x480, s13;
	s14 =	sadd.s32 s3, s14;
	s21 =	spop (v2sf);
	(v2sf) =	vpush v0, $0xA  }
0x37: {  	[tilespmem:s16], [sflag:$0x1] =	stream.linear.gather [hbm4b:s14+s2], $0x80, $0x38;
	[tilespmem:$0x10200] =	vst v63  }
0x38: {  	s14 =	sor.u32 s18, s17;
	s23 =	spop (v2sf);
	(v2sf) =	vpush v1, $0xB  }
0x39: {  	s14 =	sshrl.u32 s14, $0x3  }
0x3a: {  	s19 =	sadd.s32 $0x500, s13;
	s14 =	sadd.s32 s3, s14;
	s24 =	spop (v2sf);
	(v2sf) =	vpush v0, $0xB  }
0x3b: {  	[tilespmem:s19], [sflag:$0x1] =	stream.linear.gather [hbm4b:s14+s2], $0x80, $0x38;
	[tilespmem:$0x10200] =	vst v63  }
0x3c: {  	s14 =	sor.u32 s21, s20  }
0x3d: {  	s14 =	sshrl.u32 s14, $0x3  }
0x3e: {  	s22 =	sadd.s32 $0x580, s13;
	s14 =	sadd.s32 s3, s14  }
0x3f: {  	[tilespmem:s22], [sflag:$0x1] =	stream.linear.gather [hbm4b:s14+s2], $0x80, $0x38;
	[tilespmem:$0x10200] =	vst v63  }
0x40: {  	s14 =	sor.u32 s24, s23;
	s26 =	spop (v2sf);
	(v2sf) =	vpush v1, $0xC  }
0x41: {  	s14 =	sshrl.u32 s14, $0x3;
	s28 =	spop (v2sf);
	(v2sf) =	vpush v0, $0xC  }
0x42: {  	s25 =	sadd.s32 $0x600, s13;
	s14 =	sadd.s32 s3, s14  }
0x43: {  	[tilespmem:s25], [sflag:$0x1] =	stream.linear.gather [hbm4b:s14+s2], $0x80, $0x38;
	[tilespmem:$0x10200] =	vst v63  }
0x44: {  	s30 =	spop (v2sf);
	(v2sf) =	vpush v1, $0xD  }
0x45: {  	s14 =	sor.u32 s28, s26;
	s31 =	spop (v2sf);
	(v2sf) =	vpush v0, $0xD  }
0x46: {  	s14 =	sshrl.u32 s14, $0x3  }
0x47: {  	s29 =	sadd.s32 $0x680, s13;
	s14 =	sadd.s32 s3, s14;
	s17 =	spop (v2sf)  }
0x48: {  	(v2sf) =	vpush v1, $0xE;
	[tilespmem:s29], [sflag:$0x1] =	stream.linear.gather [hbm4b:s14+s2], $0x80, $0x38;
	[tilespmem:$0x10200] =	vst v63  }
0x49: {  	s18 =	spop (v2sf);
	(v2sf) =	vpush v0, $0xE  }
0x4a: {  	s14 =	sor.u32 s31, s30  }
0x4b: {  	s14 =	sshrl.u32 s14, $0x3  }
0x4c: {  	s16 =	sadd.s32 $0x700, s13;
	s14 =	sadd.s32 s3, s14  }
0x4d: {  	[tilespmem:s16], [sflag:$0x1] =	stream.linear.gather [hbm4b:s14+s2], $0x80, $0x38;
	[tilespmem:$0x10200] =	vst v63  }
0x4e: {  	s14 =	sor.u32 s18, s17  }
0x4f: {  	s14 =	sshrl.u32 s14, $0x3;
	s20 =	spop (v2sf);
	(v2sf) =	vpush v1, $0xF  }
0x50: {  	s19 =	sadd.s32 $0x780, s13;
	s14 =	sadd.s32 s3, s14;
	s21 =	spop (v2sf);
	(v2sf) =	vpush v0, $0xF  }
0x51: {  	[tilespmem:s19], [sflag:$0x1] =	stream.linear.gather [hbm4b:s14+s2], $0x80, $0x38;
	[tilespmem:$0x10200] =	vst v63  }
0x52: {  	s14 =	sor.u32 s21, s20  }
0x53: {  	s23 =	spop (v2sf);
	s14 =	sshrl.u32 s14, $0x3  }
0x54: {  	s22 =	sadd.s32 $0x800, s13;
	s24 =	spop (v2sf);
	s14 =	sadd.s32 s3, s14  }
0x55: {  	[tilespmem:s22], [sflag:$0x1] =	stream.linear.gather [hbm4b:s14+s2], $0x80, $0x38;
	[tilespmem:$0x10200] =	vst v63  }
0x56: {  	s14 =	sor.u32 s24, s23  }
0x57: {  	s26 =	spop (v2sf);
	s14 =	sshrl.u32 s14, $0x3  }
0x58: {  	s25 =	sadd.s32 $0x880, s13;
	s28 =	spop (v2sf);
	s14 =	sadd.s32 s3, s14  }
0x59: {  	[tilespmem:s25], [sflag:$0x1] =	stream.linear.gather [hbm4b:s14+s2], $0x80, $0x38;
	[tilespmem:$0x10200] =	vst v63  }
0x5a: {  	s14 =	sor.u32 s28, s26  }
0x5b: {  	s14 =	sshrl.u32 s14, $0x3  }
0x5c: {  	s29 =	sadd.s32 $0x900, s13;
	s14 =	sadd.s32 s3, s14  }
0x5d: {  	[tilespmem:s29], [sflag:$0x1] =	stream.linear.gather [hbm4b:s14+s2], $0x80, $0x38;
	[tilespmem:$0x10200] =	vst v63  }
0x5e: {  	p0 =	sne.s32 s12, $0x3E000;
	s30 =	spop (v2sf)  }
.Ltmp0:
0x5f: {  	s31 =	spop (v2sf);
	(pc) =	sbr.rel @p0 .LBB2_2-.Ltmp0, $4  }
0x60: {  	s14 =	sor.u32 s31, s30  }
0x61: {  	s11 =	sadd.s32 $0x10, s11;
	s14 =	sshrl.u32 s14, $0x3  }
0x62: {  	s12 =	sadd.s32 $0x2000, s12;
	s13 =	sadd.s32 $0x980, s13;
	s14 =	sadd.s32 s3, s14  }
0x63: {  	[tilespmem:s13], [sflag:$0x1] =	stream.linear.gather [hbm4b:s14+s2], $0x80, $0x38;
	[tilespmem:$0x10200] =	vst v63  }
0x64: {  	_ =	swait.ge [sflag:s8], $0x80  }
0x65: {  	s11 =	simm.s32 $0x1FF;
	[sflag:s8] =	ssyncset.done $0x0  }
.LBB2_4:
0x66: {  	p0 =	sne.s32 s11, $0x1;
	s11 =	sadd.s32 $0xFFFFFFFF, s11;
	[sflag:s8] =	ssyncadd.s32 $0xFFFFFF80  }
.Ltmp1:
0x67: {  	(pc) =	sbr.rel @p0 .LBB2_4-.Ltmp1, $3  }
0x68: {  	_ =	sdelay $0x1  }
0x69: {  	_ =	swait.ge [sflag:s8], $0x80  }
0x6a: {  	[sflag:s8] =	ssyncset.done $0x0  }
0x6b: {  	s10 =	sadd.s32 $0x1, s10  }
0x6c: {  	p0 =	sne.s32 s10, s6  }
.Ltmp2:
0x6d: {  	[sflag:s8] =	ssyncadd.s32 $0xFFFFFF80;
	(pc) =	sbr.rel @p0 .LBB2_1-.Ltmp2, $4  }
0x6e: {  	[hbm4b:s5+s2] =	stream.linear.scatter [tilespmem:s9], [sflag:$0x2], $0x10000, $0x38;
	[tilespmem:$0x10200] =	vst v63  }
0x6f: {  	_ =	swait.ge [sflag:s7], $0x10000  }
0x70: {  	[sflag:s7] =	ssyncset.done $0x0  }
0x71: {  	[sflag:s7] =	ssyncadd.s32 $0xFFFF0000  }
0x72: {  	_ =	sfence.sel $0x180000  }
0x73: {  	[bflag:$0x0] =	sbarrier.arrive $0xFFFF  }
0x74: {  	p0 =	sne.s32 s1, $0x0;
	_ =	strace $0x90000047  }
0x75: {  	s0 =	sadd.s32 @!p0 $0x100000, s0;
	[bflag:$0x2] =	sbarrier.arrive $0xFFFF  }
0x76: {  	[sflag:s0] =	ssyncadd.tile.s32 @!p0 $0x1;
	_ =	shalt  }
.Lfunc_end2:
_tile_overlayer_lowered:
.L_overlay_start_2:
0x77: {  	(tag) =	ssettag $0x2  }
0x78: {  	s0 =	rddreg [dreg:$0x0];
	s2 =	stileid.u32  }
0x79: {  	s1 =	rddreg [dreg:$0x1];
	p0 =	sne.s32 s2, $0x0  }
0x7a: {  	s3 =	rddreg [dreg:$0x2];
	[bflag:$0x3] =	sbarrier.arrive $0xFFFF;
	s2 =	simm.s32 @!p0 $0x1C02  }
0x7b: {  	[timem:s3], [sflag:s2] =	dma.local @!p0 [hbm:s0], s1  }
0x7c: {  	s0 =	simm.s32 @!p0 $0x2  }
0x7d: {  	_ =	swait.ge @!p0 [sflag:s0], s1  }
0x7e: {  	s1 =	ssub.s32 @!p0 $0x0, s1;
	[sflag:s0] =	ssyncset.done @!p0 $0x0  }
0x7f: {  	[sflag:s0] =	ssyncadd.s32 @!p0 s1  }
0x80: {  	[bflag:$0x3] =	sbarrier.arrive $0xFFFF  }
0x81: {  	_ =	shalt  }

</sc_bundles>
